<compile_context>
chip_gen: v7x
topology: tpu7x:2x2x1
jax: 0.10.2.dev20260603
libtpu: 0.0.44.dev20260713+nightly
codegen_flags: <defaults>
</compile_context>

<pallas_src>
import functools
import jax
import jax.numpy as jnp
from jax import lax
from jax.experimental import pallas as pl
from jax.experimental.pallas import tpu as pltpu
from jax.experimental.pallas import tpu_sc as plsc

_STAGE = 64


def kernel(ref_tensor, table):
    batch, _ = ref_tensor.shape
    dim = table.shape[1]
    info = plsc.get_sparse_core_info()
    nc, ns, nl = info.num_cores, info.num_subcores, info.num_lanes
    nw = nc * ns
    rows_per_w = batch // nw
    n_dmas = rows_per_w // _STAGE
    n_chunks = dim // nl
    mesh = plsc.VectorSubcoreMesh(core_axis_name="c", subcore_axis_name="s")

    @functools.partial(
        pl.kernel,
        mesh=mesh,
        out_type=jax.ShapeDtypeStruct((batch, dim), jnp.float32),
        scratch_types=[
            pltpu.VMEM((_STAGE, dim), jnp.float32),
            pltpu.SemaphoreType.DMA,
        ],
    )
    def k(table_hbm, out_hbm, stage_v, sem):
        wid = lax.axis_index("s") * nc + lax.axis_index("c")
        base = wid * rows_per_w
        pltpu.sync_copy(table_hbm, stage_v.at[0:1])

        def fill_row(r, _):
            for c in range(n_chunks):
                stage_v[r, pl.ds(c * nl, nl)] = stage_v[0, pl.ds(c * nl, nl)]
            return 0

        lax.fori_loop(1, _STAGE, fill_row, 0)

        copies = [
            pltpu.async_copy(
                stage_v, out_hbm.at[pl.ds(base + i * _STAGE, _STAGE)], sem
            )
            for i in range(n_dmas)
        ]
        for cp in copies:
            cp.wait()

    return k(table)

# --- scband reference (transcript-rebuilt; emitter-appended) ---
"""Pipeline reference for scband-task-embedding-59485297050188 (READ-ONLY COPY).

The authoritative reference and input builder live on the scoring server;
editing this copy changes nothing except your own understanding.
"""

import jax, jax.numpy as jnp
import numpy as np

OUTPUT_DIM = 128
BATCH = 16384

def setup_inputs(seed: int = 0) -> dict:
    key = jax.random.key(seed)
    k1, k2 = jax.random.split(key)
    ref_tensor = jax.random.normal(k1, (BATCH, OUTPUT_DIM), dtype=jnp.float32)
    # Embedding table: input_dim=1, output_dim=OUTPUT_DIM (keras Embedding default uniform init ~ random)
    table = jax.random.uniform(k2, (1, OUTPUT_DIM), dtype=jnp.float32, minval=-0.05, maxval=0.05)
    return {"ref_tensor": ref_tensor, "table": table}

def reference(ref_tensor, table):
    batch = ref_tensor.shape[0]
    # idx = zeros((batch, 1), int32); emb lookup; squeeze axis=1
    idx = jnp.zeros((batch, 1), dtype=jnp.int32)
    emb = jnp.take(table, idx, axis=0)  # [batch, 1, output_dim]
    out = jnp.squeeze(emb, axis=1)      # [batch, output_dim]
    return out

if __name__ == "__main__":
    import jax
    _d = setup_inputs()
    print(jax.jit(kernel)(*tuple(_d.values())))

</pallas_src>

<mosaic_0001>
#map = affine_map<(d0, d1) -> (0, 0)>
module attributes {stable_mosaic.version = 14 : i64} {
  func.func @k(%arg0: i32, %arg1: i32, %arg2: memref<1x128xf32, #tpu.memory_space<hbm>>, %arg3: memref<16384x128xf32, #tpu.memory_space<hbm>>, %arg4: memref<64x128xf32, #tpu.memory_space<vmem>>, %arg5: memref<!tpu.dma_semaphore, #tpu.memory_space<semaphore_mem>>) attributes {dimension_semantics = [#tpu.dimension_semantics<core_parallel>, #tpu.dimension_semantics<subcore_parallel>], iteration_bounds = array<i64: 2, 16>, scalar_prefetch = 0 : i64, scratch_operands = 2 : i64, tpu.core_type = #tpu.core_type<sc_vector_subcore>, window_params = [{transform_indices = #map}, {transform_indices = #map}]} {
    %mul3A = arith.constant 2 : i32
    %mul3A_0 = arith.muli %arg1, %mul3A : i32
    %add3A = arith.addi %mul3A_0, %arg0 : i32
    %mul3A_1 = arith.constant 512 : i32
    %mul3A_2 = arith.muli %add3A, %mul3A_1 : i32
    "tpu.region"() ({
      %run_scoped3A = tpu.sem_alloc : memref<!tpu.dma_semaphore, #tpu.memory_space<semaphore_mem>>
      %dma_start3A_87 = arith.constant 0 : i32
      %dma_start3A_88 = arith.constant 0 : i32
      %dma_start3A_89 = tpu.memref_slice %arg4[%dma_start3A_87, %dma_start3A_88] : memref<64x128xf32, #tpu.memory_space<vmem>> -> memref<1x128xf32, #tpu.memory_space<vmem>>
      %dma_start3A_90 = arith.constant 0 : i32
      %dma_start3A_91 = arith.constant 0 : i32
      %dma_start3A_92 = tpu.memref_slice %arg4[%dma_start3A_90, %dma_start3A_91] : memref<64x128xf32, #tpu.memory_space<vmem>> -> memref<1x128xf32, #tpu.memory_space<vmem>>
      tpu.enqueue_dma source(%arg2 : memref<1x128xf32, #tpu.memory_space<hbm>>) target(%dma_start3A_92 : memref<1x128xf32, #tpu.memory_space<vmem>>) target_semaphore(%run_scoped3A : memref<!tpu.dma_semaphore, #tpu.memory_space<semaphore_mem>>)
      %dma_wait3A_93 = arith.constant 0 : i32
      %dma_wait3A_94 = arith.constant 0 : i32
      %dma_wait3A_95 = tpu.memref_slice %arg4[%dma_wait3A_93, %dma_wait3A_94] : memref<64x128xf32, #tpu.memory_space<vmem>> -> memref<1x128xf32, #tpu.memory_space<vmem>>
      %dma_wait3A_96 = arith.constant 0 : i32
      %dma_wait3A_97 = arith.constant 0 : i32
      %dma_wait3A_98 = tpu.memref_slice %arg4[%dma_wait3A_96, %dma_wait3A_97] : memref<64x128xf32, #tpu.memory_space<vmem>> -> memref<1x128xf32, #tpu.memory_space<vmem>>
      tpu.wait_dma2 semaphore(%run_scoped3A : memref<!tpu.dma_semaphore, #tpu.memory_space<semaphore_mem>>) src(%arg2 : memref<1x128xf32, #tpu.memory_space<hbm>>) dst(%dma_wait3A_98 : memref<1x128xf32, #tpu.memory_space<vmem>>)
      tpu.yield
    }) : () -> ()
    %scan3A = arith.constant 0 : i32
    %scan3A_3 = arith.constant 1 : i32
    %scan3A_4 = arith.constant 63 : i32
    %scan3A_5 = arith.addi %scan3A_3, %scan3A_4 : i32
    %scan3A_6 = arith.constant 1 : i32
    %scan3A_7 = scf.for %scan3A_87 = %scan3A_3 to %scan3A_5 step %scan3A_6 iter_args(%scan3A_88 = %scan3A) -> (i32)  : i32 {
      %get3A = arith.constant 0 : i32
      %get3A_89 = arith.index_cast %get3A : i32 to index
      %get3A_90 = arith.constant 0 : index
      %get3A_91 = tpu.vector_load %arg4[%get3A_89, %get3A_90] {strides = array<i32>} : memref<64x128xf32, #tpu.memory_space<vmem>>, vector<1x16xf32>,
      %get3A_92 = vector.shape_cast %get3A_91 : vector<1x16xf32> to vector<16xf32>
      %swap3A = arith.index_cast %scan3A_87 : i32 to index
      %swap3A_93 = arith.constant 0 : index
      %swap3A_94 = tpu.vector_load %arg4[%swap3A, %swap3A_93] {strides = array<i32>} : memref<64x128xf32, #tpu.memory_space<vmem>>, vector<1x16xf32>,
      %swap3A_95 = vector.shape_cast %swap3A_94 : vector<1x16xf32> to vector<16xf32>
      %swap3A_96 = vector.shape_cast %get3A_92 : vector<16xf32> to vector<1x16xf32>
      tpu.vector_store %arg4[%swap3A, %swap3A_93], %swap3A_96 {strides = array<i32>} : memref<64x128xf32, #tpu.memory_space<vmem>>, vector<1x16xf32>,
      %get3A_97 = arith.constant 0 : i32
      %get3A_98 = arith.index_cast %get3A_97 : i32 to index
      %get3A_99 = arith.constant 16 : index
      %get3A_100 = tpu.vector_load %arg4[%get3A_98, %get3A_99] {strides = array<i32>} : memref<64x128xf32, #tpu.memory_space<vmem>>, vector<1x16xf32>,
      %get3A_101 = vector.shape_cast %get3A_100 : vector<1x16xf32> to vector<16xf32>
      %swap3A_102 = arith.index_cast %scan3A_87 : i32 to index
      %swap3A_103 = arith.constant 16 : index
      %swap3A_104 = tpu.vector_load %arg4[%swap3A_102, %swap3A_103] {strides = array<i32>} : memref<64x128xf32, #tpu.memory_space<vmem>>, vector<1x16xf32>,
      %swap3A_105 = vector.shape_cast %swap3A_104 : vector<1x16xf32> to vector<16xf32>
      %swap3A_106 = vector.shape_cast %get3A_101 : vector<16xf32> to vector<1x16xf32>
      tpu.vector_store %arg4[%swap3A_102, %swap3A_103], %swap3A_106 {strides = array<i32>} : memref<64x128xf32, #tpu.memory_space<vmem>>, vector<1x16xf32>,
      %get3A_107 = arith.constant 0 : i32
      %get3A_108 = arith.index_cast %get3A_107 : i32 to index
      %get3A_109 = arith.constant 32 : index
      %get3A_110 = tpu.vector_load %arg4[%get3A_108, %get3A_109] {strides = array<i32>} : memref<64x128xf32, #tpu.memory_space<vmem>>, vector<1x16xf32>,
      %get3A_111 = vector.shape_cast %get3A_110 : vector<1x16xf32> to vector<16xf32>
      %swap3A_112 = arith.index_cast %scan3A_87 : i32 to index
      %swap3A_113 = arith.constant 32 : index
      %swap3A_114 = tpu.vector_load %arg4[%swap3A_112, %swap3A_113] {strides = array<i32>} : memref<64x128xf32, #tpu.memory_space<vmem>>, vector<1x16xf32>,
      %swap3A_115 = vector.shape_cast %swap3A_114 : vector<1x16xf32> to vector<16xf32>
      %swap3A_116 = vector.shape_cast %get3A_111 : vector<16xf32> to vector<1x16xf32>
      tpu.vector_store %arg4[%swap3A_112, %swap3A_113], %swap3A_116 {strides = array<i32>} : memref<64x128xf32, #tpu.memory_space<vmem>>, vector<1x16xf32>,
      %get3A_117 = arith.constant 0 : i32
      %get3A_118 = arith.index_cast %get3A_117 : i32 to index
      %get3A_119 = arith.constant 48 : index
      %get3A_120 = tpu.vector_load %arg4[%get3A_118, %get3A_119] {strides = array<i32>} : memref<64x128xf32, #tpu.memory_space<vmem>>, vector<1x16xf32>,
      %get3A_121 = vector.shape_cast %get3A_120 : vector<1x16xf32> to vector<16xf32>
      %swap3A_122 = arith.index_cast %scan3A_87 : i32 to index
      %swap3A_123 = arith.constant 48 : index
      %swap3A_124 = tpu.vector_load %arg4[%swap3A_122, %swap3A_123] {strides = array<i32>} : memref<64x128xf32, #tpu.memory_space<vmem>>, vector<1x16xf32>,
      %swap3A_125 = vector.shape_cast %swap3A_124 : vector<1x16xf32> to vector<16xf32>
      %swap3A_126 = vector.shape_cast %get3A_121 : vector<16xf32> to vector<1x16xf32>
      tpu.vector_store %arg4[%swap3A_122, %swap3A_123], %swap3A_126 {strides = array<i32>} : memref<64x128xf32, #tpu.memory_space<vmem>>, vector<1x16xf32>,
      %get3A_127 = arith.constant 0 : i32
      %get3A_128 = arith.index_cast %get3A_127 : i32 to index
      %get3A_129 = arith.constant 64 : index
      %get3A_130 = tpu.vector_load %arg4[%get3A_128, %get3A_129] {strides = array<i32>} : memref<64x128xf32, #tpu.memory_space<vmem>>, vector<1x16xf32>,
      %get3A_131 = vector.shape_cast %get3A_130 : vector<1x16xf32> to vector<16xf32>
      %swap3A_132 = arith.index_cast %scan3A_87 : i32 to index
      %swap3A_133 = arith.constant 64 : index
      %swap3A_134 = tpu.vector_load %arg4[%swap3A_132, %swap3A_133] {strides = array<i32>} : memref<64x128xf32, #tpu.memory_space<vmem>>, vector<1x16xf32>,
      %swap3A_135 = vector.shape_cast %swap3A_134 : vector<1x16xf32> to vector<16xf32>
      %swap3A_136 = vector.shape_cast %get3A_131 : vector<16xf32> to vector<1x16xf32>
      tpu.vector_store %arg4[%swap3A_132, %swap3A_133], %swap3A_136 {strides = array<i32>} : memref<64x128xf32, #tpu.memory_space<vmem>>, vector<1x16xf32>,
      %get3A_137 = arith.constant 0 : i32
      %get3A_138 = arith.index_cast %get3A_137 : i32 to index
      %get3A_139 = arith.constant 80 : index
      %get3A_140 = tpu.vector_load %arg4[%get3A_138, %get3A_139] {strides = array<i32>} : memref<64x128xf32, #tpu.memory_space<vmem>>, vector<1x16xf32>,
      %get3A_141 = vector.shape_cast %get3A_140 : vector<1x16xf32> to vector<16xf32>
      %swap3A_142 = arith.index_cast %scan3A_87 : i32 to index
      %swap3A_143 = arith.constant 80 : index
      %swap3A_144 = tpu.vector_load %arg4[%swap3A_142, %swap3A_143] {strides = array<i32>} : memref<64x128xf32, #tpu.memory_space<vmem>>, vector<1x16xf32>,
      %swap3A_145 = vector.shape_cast %swap3A_144 : vector<1x16xf32> to vector<16xf32>
      %swap3A_146 = vector.shape_cast %get3A_141 : vector<16xf32> to vector<1x16xf32>
      tpu.vector_store %arg4[%swap3A_142, %swap3A_143], %swap3A_146 {strides = array<i32>} : memref<64x128xf32, #tpu.memory_space<vmem>>, vector<1x16xf32>,
      %get3A_147 = arith.constant 0 : i32
      %get3A_148 = arith.index_cast %get3A_147 : i32 to index
      %get3A_149 = arith.constant 96 : index
      %get3A_150 = tpu.vector_load %arg4[%get3A_148, %get3A_149] {strides = array<i32>} : memref<64x128xf32, #tpu.memory_space<vmem>>, vector<1x16xf32>,
      %get3A_151 = vector.shape_cast %get3A_150 : vector<1x16xf32> to vector<16xf32>
      %swap3A_152 = arith.index_cast %scan3A_87 : i32 to index
      %swap3A_153 = arith.constant 96 : index
      %swap3A_154 = tpu.vector_load %arg4[%swap3A_152, %swap3A_153] {strides = array<i32>} : memref<64x128xf32, #tpu.memory_space<vmem>>, vector<1x16xf32>,
      %swap3A_155 = vector.shape_cast %swap3A_154 : vector<1x16xf32> to vector<16xf32>
      %swap3A_156 = vector.shape_cast %get3A_151 : vector<16xf32> to vector<1x16xf32>
      tpu.vector_store %arg4[%swap3A_152, %swap3A_153], %swap3A_156 {strides = array<i32>} : memref<64x128xf32, #tpu.memory_space<vmem>>, vector<1x16xf32>,
      %get3A_157 = arith.constant 0 : i32
      %get3A_158 = arith.index_cast %get3A_157 : i32 to index
      %get3A_159 = arith.constant 112 : index
      %get3A_160 = tpu.vector_load %arg4[%get3A_158, %get3A_159] {strides = array<i32>} : memref<64x128xf32, #tpu.memory_space<vmem>>, vector<1x16xf32>,
      %get3A_161 = vector.shape_cast %get3A_160 : vector<1x16xf32> to vector<16xf32>
      %swap3A_162 = arith.index_cast %scan3A_87 : i32 to index
      %swap3A_163 = arith.constant 112 : index
      %swap3A_164 = tpu.vector_load %arg4[%swap3A_162, %swap3A_163] {strides = array<i32>} : memref<64x128xf32, #tpu.memory_space<vmem>>, vector<1x16xf32>,
      %swap3A_165 = vector.shape_cast %swap3A_164 : vector<1x16xf32> to vector<16xf32>
      %swap3A_166 = vector.shape_cast %get3A_161 : vector<16xf32> to vector<1x16xf32>
      tpu.vector_store %arg4[%swap3A_162, %swap3A_163], %swap3A_166 {strides = array<i32>} : memref<64x128xf32, #tpu.memory_space<vmem>>, vector<1x16xf32>,
      %scan3A_167 = arith.constant 0 : i32
      scf.yield %scan3A_167 : i32
    }
    %scan3A_8 = arith.constant 63 : i32
    %add3A_9 = arith.constant 0 : i32
    %add3A_10 = arith.addi %mul3A_2, %add3A_9 : i32
    %dma_start3A = arith.constant 0 : i32
    %dma_start3A_11 = tpu.memref_slice %arg3[%add3A_10, %dma_start3A] : memref<16384x128xf32, #tpu.memory_space<hbm>> -> memref<64x128xf32, #tpu.memory_space<hbm>>
    %dma_start3A_12 = arith.constant 0 : i32
    %dma_start3A_13 = tpu.memref_slice %arg3[%add3A_10, %dma_start3A_12] : memref<16384x128xf32, #tpu.memory_space<hbm>> -> memref<64x128xf32, #tpu.memory_space<hbm>>
    tpu.enqueue_dma source(%arg4 : memref<64x128xf32, #tpu.memory_space<vmem>>) target(%dma_start3A_13 : memref<64x128xf32, #tpu.memory_space<hbm>>) target_semaphore(%arg5 : memref<!tpu.dma_semaphore, #tpu.memory_space<semaphore_mem>>)
    %add3A_14 = arith.constant 64 : i32
    %add3A_15 = arith.addi %mul3A_2, %add3A_14 : i32
    %dma_start3A_16 = arith.constant 0 : i32
    %dma_start3A_17 = tpu.memref_slice %arg3[%add3A_15, %dma_start3A_16] : memref<16384x128xf32, #tpu.memory_space<hbm>> -> memref<64x128xf32, #tpu.memory_space<hbm>>
    %dma_start3A_18 = arith.constant 0 : i32
    %dma_start3A_19 = tpu.memref_slice %arg3[%add3A_15, %dma_start3A_18] : memref<16384x128xf32, #tpu.memory_space<hbm>> -> memref<64x128xf32, #tpu.memory_space<hbm>>
    tpu.enqueue_dma source(%arg4 : memref<64x128xf32, #tpu.memory_space<vmem>>) target(%dma_start3A_19 : memref<64x128xf32, #tpu.memory_space<hbm>>) target_semaphore(%arg5 : memref<!tpu.dma_semaphore, #tpu.memory_space<semaphore_mem>>)
    %add3A_20 = arith.constant 128 : i32
    %add3A_21 = arith.addi %mul3A_2, %add3A_20 : i32
    %dma_start3A_22 = arith.constant 0 : i32
    %dma_start3A_23 = tpu.memref_slice %arg3[%add3A_21, %dma_start3A_22] : memref<16384x128xf32, #tpu.memory_space<hbm>> -> memref<64x128xf32, #tpu.memory_space<hbm>>
    %dma_start3A_24 = arith.constant 0 : i32
    %dma_start3A_25 = tpu.memref_slice %arg3[%add3A_21, %dma_start3A_24] : memref<16384x128xf32, #tpu.memory_space<hbm>> -> memref<64x128xf32, #tpu.memory_space<hbm>>
    tpu.enqueue_dma source(%arg4 : memref<64x128xf32, #tpu.memory_space<vmem>>) target(%dma_start3A_25 : memref<64x128xf32, #tpu.memory_space<hbm>>) target_semaphore(%arg5 : memref<!tpu.dma_semaphore, #tpu.memory_space<semaphore_mem>>)
    %add3A_26 = arith.constant 192 : i32
    %add3A_27 = arith.addi %mul3A_2, %add3A_26 : i32
    %dma_start3A_28 = arith.constant 0 : i32
    %dma_start3A_29 = tpu.memref_slice %arg3[%add3A_27, %dma_start3A_28] : memref<16384x128xf32, #tpu.memory_space<hbm>> -> memref<64x128xf32, #tpu.memory_space<hbm>>
    %dma_start3A_30 = arith.constant 0 : i32
    %dma_start3A_31 = tpu.memref_slice %arg3[%add3A_27, %dma_start3A_30] : memref<16384x128xf32, #tpu.memory_space<hbm>> -> memref<64x128xf32, #tpu.memory_space<hbm>>
    tpu.enqueue_dma source(%arg4 : memref<64x128xf32, #tpu.memory_space<vmem>>) target(%dma_start3A_31 : memref<64x128xf32, #tpu.memory_space<hbm>>) target_semaphore(%arg5 : memref<!tpu.dma_semaphore, #tpu.memory_space<semaphore_mem>>)
    %add3A_32 = arith.constant 256 : i32
    %add3A_33 = arith.addi %mul3A_2, %add3A_32 : i32
    %dma_start3A_34 = arith.constant 0 : i32
    %dma_start3A_35 = tpu.memref_slice %arg3[%add3A_33, %dma_start3A_34] : memref<16384x128xf32, #tpu.memory_space<hbm>> -> memref<64x128xf32, #tpu.memory_space<hbm>>
    %dma_start3A_36 = arith.constant 0 : i32
    %dma_start3A_37 = tpu.memref_slice %arg3[%add3A_33, %dma_start3A_36] : memref<16384x128xf32, #tpu.memory_space<hbm>> -> memref<64x128xf32, #tpu.memory_space<hbm>>
    tpu.enqueue_dma source(%arg4 : memref<64x128xf32, #tpu.memory_space<vmem>>) target(%dma_start3A_37 : memref<64x128xf32, #tpu.memory_space<hbm>>) target_semaphore(%arg5 : memref<!tpu.dma_semaphore, #tpu.memory_space<semaphore_mem>>)
    %add3A_38 = arith.constant 320 : i32
    %add3A_39 = arith.addi %mul3A_2, %add3A_38 : i32
    %dma_start3A_40 = arith.constant 0 : i32
    %dma_start3A_41 = tpu.memref_slice %arg3[%add3A_39, %dma_start3A_40] : memref<16384x128xf32, #tpu.memory_space<hbm>> -> memref<64x128xf32, #tpu.memory_space<hbm>>
    %dma_start3A_42 = arith.constant 0 : i32
    %dma_start3A_43 = tpu.memref_slice %arg3[%add3A_39, %dma_start3A_42] : memref<16384x128xf32, #tpu.memory_space<hbm>> -> memref<64x128xf32, #tpu.memory_space<hbm>>
    tpu.enqueue_dma source(%arg4 : memref<64x128xf32, #tpu.memory_space<vmem>>) target(%dma_start3A_43 : memref<64x128xf32, #tpu.memory_space<hbm>>) target_semaphore(%arg5 : memref<!tpu.dma_semaphore, #tpu.memory_space<semaphore_mem>>)
    %add3A_44 = arith.constant 384 : i32
    %add3A_45 = arith.addi %mul3A_2, %add3A_44 : i32
    %dma_start3A_46 = arith.constant 0 : i32
    %dma_start3A_47 = tpu.memref_slice %arg3[%add3A_45, %dma_start3A_46] : memref<16384x128xf32, #tpu.memory_space<hbm>> -> memref<64x128xf32, #tpu.memory_space<hbm>>
    %dma_start3A_48 = arith.constant 0 : i32
    %dma_start3A_49 = tpu.memref_slice %arg3[%add3A_45, %dma_start3A_48] : memref<16384x128xf32, #tpu.memory_space<hbm>> -> memref<64x128xf32, #tpu.memory_space<hbm>>
    tpu.enqueue_dma source(%arg4 : memref<64x128xf32, #tpu.memory_space<vmem>>) target(%dma_start3A_49 : memref<64x128xf32, #tpu.memory_space<hbm>>) target_semaphore(%arg5 : memref<!tpu.dma_semaphore, #tpu.memory_space<semaphore_mem>>)
    %add3A_50 = arith.constant 448 : i32
    %add3A_51 = arith.addi %mul3A_2, %add3A_50 : i32
    %dma_start3A_52 = arith.constant 0 : i32
    %dma_start3A_53 = tpu.memref_slice %arg3[%add3A_51, %dma_start3A_52] : memref<16384x128xf32, #tpu.memory_space<hbm>> -> memref<64x128xf32, #tpu.memory_space<hbm>>
    %dma_start3A_54 = arith.constant 0 : i32
    %dma_start3A_55 = tpu.memref_slice %arg3[%add3A_51, %dma_start3A_54] : memref<16384x128xf32, #tpu.memory_space<hbm>> -> memref<64x128xf32, #tpu.memory_space<hbm>>
    tpu.enqueue_dma source(%arg4 : memref<64x128xf32, #tpu.memory_space<vmem>>) target(%dma_start3A_55 : memref<64x128xf32, #tpu.memory_space<hbm>>) target_semaphore(%arg5 : memref<!tpu.dma_semaphore, #tpu.memory_space<semaphore_mem>>)
    %dma_wait3A = arith.constant 0 : i32
    %dma_wait3A_56 = tpu.memref_slice %arg3[%add3A_10, %dma_wait3A] : memref<16384x128xf32, #tpu.memory_space<hbm>> -> memref<64x128xf32, #tpu.memory_space<hbm>>
    %dma_wait3A_57 = arith.constant 0 : i32
    %dma_wait3A_58 = tpu.memref_slice %arg3[%add3A_10, %dma_wait3A_57] : memref<16384x128xf32, #tpu.memory_space<hbm>> -> memref<64x128xf32, #tpu.memory_space<hbm>>
    tpu.wait_dma2 semaphore(%arg5 : memref<!tpu.dma_semaphore, #tpu.memory_space<semaphore_mem>>) src(%arg4 : memref<64x128xf32, #tpu.memory_space<vmem>>) dst(%dma_wait3A_58 : memref<64x128xf32, #tpu.memory_space<hbm>>)
    %dma_wait3A_59 = arith.constant 0 : i32
    %dma_wait3A_60 = tpu.memref_slice %arg3[%add3A_15, %dma_wait3A_59] : memref<16384x128xf32, #tpu.memory_space<hbm>> -> memref<64x128xf32, #tpu.memory_space<hbm>>
    %dma_wait3A_61 = arith.constant 0 : i32
    %dma_wait3A_62 = tpu.memref_slice %arg3[%add3A_15, %dma_wait3A_61] : memref<16384x128xf32, #tpu.memory_space<hbm>> -> memref<64x128xf32, #tpu.memory_space<hbm>>
    tpu.wait_dma2 semaphore(%arg5 : memref<!tpu.dma_semaphore, #tpu.memory_space<semaphore_mem>>) src(%arg4 : memref<64x128xf32, #tpu.memory_space<vmem>>) dst(%dma_wait3A_62 : memref<64x128xf32, #tpu.memory_space<hbm>>)
    %dma_wait3A_63 = arith.constant 0 : i32
    %dma_wait3A_64 = tpu.memref_slice %arg3[%add3A_21, %dma_wait3A_63] : memref<16384x128xf32, #tpu.memory_space<hbm>> -> memref<64x128xf32, #tpu.memory_space<hbm>>
    %dma_wait3A_65 = arith.constant 0 : i32
    %dma_wait3A_66 = tpu.memref_slice %arg3[%add3A_21, %dma_wait3A_65] : memref<16384x128xf32, #tpu.memory_space<hbm>> -> memref<64x128xf32, #tpu.memory_space<hbm>>
    tpu.wait_dma2 semaphore(%arg5 : memref<!tpu.dma_semaphore, #tpu.memory_space<semaphore_mem>>) src(%arg4 : memref<64x128xf32, #tpu.memory_space<vmem>>) dst(%dma_wait3A_66 : memref<64x128xf32, #tpu.memory_space<hbm>>)
    %dma_wait3A_67 = arith.constant 0 : i32
    %dma_wait3A_68 = tpu.memref_slice %arg3[%add3A_27, %dma_wait3A_67] : memref<16384x128xf32, #tpu.memory_space<hbm>> -> memref<64x128xf32, #tpu.memory_space<hbm>>
    %dma_wait3A_69 = arith.constant 0 : i32
    %dma_wait3A_70 = tpu.memref_slice %arg3[%add3A_27, %dma_wait3A_69] : memref<16384x128xf32, #tpu.memory_space<hbm>> -> memref<64x128xf32, #tpu.memory_space<hbm>>
    tpu.wait_dma2 semaphore(%arg5 : memref<!tpu.dma_semaphore, #tpu.memory_space<semaphore_mem>>) src(%arg4 : memref<64x128xf32, #tpu.memory_space<vmem>>) dst(%dma_wait3A_70 : memref<64x128xf32, #tpu.memory_space<hbm>>)
    %dma_wait3A_71 = arith.constant 0 : i32
    %dma_wait3A_72 = tpu.memref_slice %arg3[%add3A_33, %dma_wait3A_71] : memref<16384x128xf32, #tpu.memory_space<hbm>> -> memref<64x128xf32, #tpu.memory_space<hbm>>
    %dma_wait3A_73 = arith.constant 0 : i32
    %dma_wait3A_74 = tpu.memref_slice %arg3[%add3A_33, %dma_wait3A_73] : memref<16384x128xf32, #tpu.memory_space<hbm>> -> memref<64x128xf32, #tpu.memory_space<hbm>>
    tpu.wait_dma2 semaphore(%arg5 : memref<!tpu.dma_semaphore, #tpu.memory_space<semaphore_mem>>) src(%arg4 : memref<64x128xf32, #tpu.memory_space<vmem>>) dst(%dma_wait3A_74 : memref<64x128xf32, #tpu.memory_space<hbm>>)
    %dma_wait3A_75 = arith.constant 0 : i32
    %dma_wait3A_76 = tpu.memref_slice %arg3[%add3A_39, %dma_wait3A_75] : memref<16384x128xf32, #tpu.memory_space<hbm>> -> memref<64x128xf32, #tpu.memory_space<hbm>>
    %dma_wait3A_77 = arith.constant 0 : i32
    %dma_wait3A_78 = tpu.memref_slice %arg3[%add3A_39, %dma_wait3A_77] : memref<16384x128xf32, #tpu.memory_space<hbm>> -> memref<64x128xf32, #tpu.memory_space<hbm>>
    tpu.wait_dma2 semaphore(%arg5 : memref<!tpu.dma_semaphore, #tpu.memory_space<semaphore_mem>>) src(%arg4 : memref<64x128xf32, #tpu.memory_space<vmem>>) dst(%dma_wait3A_78 : memref<64x128xf32, #tpu.memory_space<hbm>>)
    %dma_wait3A_79 = arith.constant 0 : i32
    %dma_wait3A_80 = tpu.memref_slice %arg3[%add3A_45, %dma_wait3A_79] : memref<16384x128xf32, #tpu.memory_space<hbm>> -> memref<64x128xf32, #tpu.memory_space<hbm>>
    %dma_wait3A_81 = arith.constant 0 : i32
    %dma_wait3A_82 = tpu.memref_slice %arg3[%add3A_45, %dma_wait3A_81] : memref<16384x128xf32, #tpu.memory_space<hbm>> -> memref<64x128xf32, #tpu.memory_space<hbm>>
    tpu.wait_dma2 semaphore(%arg5 : memref<!tpu.dma_semaphore, #tpu.memory_space<semaphore_mem>>) src(%arg4 : memref<64x128xf32, #tpu.memory_space<vmem>>) dst(%dma_wait3A_82 : memref<64x128xf32, #tpu.memory_space<hbm>>)
    %dma_wait3A_83 = arith.constant 0 : i32
    %dma_wait3A_84 = tpu.memref_slice %arg3[%add3A_51, %dma_wait3A_83] : memref<16384x128xf32, #tpu.memory_space<hbm>> -> memref<64x128xf32, #tpu.memory_space<hbm>>
    %dma_wait3A_85 = arith.constant 0 : i32
    %dma_wait3A_86 = tpu.memref_slice %arg3[%add3A_51, %dma_wait3A_85] : memref<16384x128xf32, #tpu.memory_space<hbm>> -> memref<64x128xf32, #tpu.memory_space<hbm>>
    tpu.wait_dma2 semaphore(%arg5 : memref<!tpu.dma_semaphore, #tpu.memory_space<semaphore_mem>>) src(%arg4 : memref<64x128xf32, #tpu.memory_space<vmem>>) dst(%dma_wait3A_86 : memref<64x128xf32, #tpu.memory_space<hbm>>)
    return
  }
}

</mosaic_0001>

<sc_bundles>
// kernel: kernel.3.cloned.1.call-start
scs
__scs_entry_jumppad:
0x0: {  	(pc) =	sbr.rel $0x88, $3  }
0x1: {  	(tag) =	ssettag $0x0;
	lr =	simm.s32 $0x1  }
0x2: {  	[smem:$0x3FA0] =	sst lr;
	_ =	strace $0xD0000000  }
0x3: {  	_ = 	snop  }
0x4: {  	_ = 	snop  }
0x5: {  	_ = 	snop  }
0x6: {  	_ = 	snop  }
0x7: {  	_ = 	snop  }
__scs_overlays_trampoline_lowered:
0x8: {  	[smem:$0x3FAF] =	sst s0  }
0x9: {  	[smem:$0x3FB0] =	sst s1  }
0xa: {  	[smem:$0x3FB1] =	sst s2  }
0xb: {  	[smem:$0x3FB2] =	sst s3  }
0xc: {  	[smem:$0x3FB3] =	sst s4  }
0xd: {  	[smem:$0x3FB4] =	sst s5  }
0xe: {  	[smem:$0x3FB5] =	sst s6  }
0xf: {  	[smem:$0x3FB6] =	sst s7  }
0x10: {  	[smem:$0x3FB7] =	sst s8  }
0x11: {  	[smem:$0x3FB8] =	sst s9;
	s0 =	simm.s32 @!p0 $0x0  }
0x12: {  	s1 =	sld [smem:$0x3F9E];
	s0 =	simm.s32 @p0 $0x1  }
0x13: {  	[smem:$0x3FB9] =	sst s0;
	s0 =	simm.s32 @!p1 $0x0  }
0x14: {  	s2 =	sld [smem:$0x3F9D];
	s0 =	simm.s32 @p1 $0x1  }
0x15: {  	[smem:$0x3FBA] =	sst s0;
	s0 =	simm.s32 @!p2 $0x0  }
0x16: {  	s3 =	sld [smem:$0x3FDB];
	s0 =	simm.s32 @p2 $0x1  }
0x17: {  	s4 =	simm.s32 $0x1BF5;
	[smem:$0x3FBC] =	sst s0  }
0x18: {  	s0 =	sld [smem:$0x3F9F];
	_ =	swait.ge [sflag:s4], $0x0  }
0x19: {  	s7 =	sld [smem:$0x3FA0]  }
0x1a: {  	s8 =	sadd.s32 $0xFFFFE003, lr  }
0x1b: {  	s9 =	sadd.s32 $0xFFFFFEF7, lr;
	s5 =	simm.s32 $0xFFFFFFFF;
	p2 =	slt.u32 s8, $0xFFFFF086  }
0x1c: {  	p1 =	slt.u32 s9, $0xF7A;
	s5 =	simm.s32 @!p2 $0x0  }
0x1d: {  	s5 =	simm.s32 @p1 $0x1;
	p0 =	seq.s32 s7, s2  }
0x1e: {  	s7 =	smul.u32 @!p0 $0xF7A, s2;
	p2 =	seq.s32 @!p0 s5, $0x0  }
0x1f: {  	s9 =	smul.u32 $0xF7A, s1;
	s8 =	simm.s32 @!p0 $0x1BF5;
	p2 =	por !p2, p0  }
0x20: {  	[sflag:s8] =	ssyncset.s32 @!p0 $0xFFFFF086;
	s6 =	sadd.s32 @!p0 s3, s7;
	s7 =	simm.s32 @!p0 $0x108  }
0x21: {  	s3 =	sadd.s32 s3, s9;
	s6 =	sadd.s32 @!p0 $0x88, s6;
	s7 =	simm.s32 @p2 $0x1082  }
0x22: {  	[simem:s7], [sflag:s8] =	dma.local @!p0 [hbm:s6], $0xF7A  }
0x23: {  	s9 =	sor.u32 $0xD0000000, s2;
	s6 =	simm.s32 $0x108;
	_ =	swait.ge @!p0 [sflag:s8], $0x0  }
0x24: {  	s3 =	sadd.s32 $0x88, s3;
	s6 =	simm.s32 @!p1 $0x1082;
	[sflag:s4] =	ssyncset.s32 $0xFFFFF086  }
0x25: {  	[simem:s6], [sflag:s4] =	dma.local [hbm:s3], $0xF7A  }
0x26: {  	[smem:$0x3FA0] =	sst s1;
	(tag) =	ssettag s2;
	_ =	strace s9  }
0x27: {  	s1 =	sld [smem:$0x3FB0]  }
0x28: {  	s2 =	sld [smem:$0x3FB1]  }
0x29: {  	s4 =	sld [smem:$0x3FB3]  }
0x2a: {  	p0 =	seq.s32 s5, $0x0;
	s5 =	sld [smem:$0x3FB4]  }
0x2b: {  	s6 =	sld [smem:$0x3FB5]  }
0x2c: {  	s7 =	sld [smem:$0x3FB6]  }
0x2d: {  	s3 =	simm.s32 $0x108;
	s8 =	sld [smem:$0x3FB7]  }
0x2e: {  	s3 =	simm.s32 @!p0 $0x1082;
	s9 =	sld [smem:$0x3FB8]  }
0x2f: {  	lr =	sadd.s32 s0, s3;
	s0 =	sld [smem:$0x3FAF]  }
0x30: {  	s3 =	sld [smem:$0x3FB2]  }
0x31: {  	[smem:$0x3FBB] =	sst s10  }
0x32: {  	s10 =	sld [smem:$0x3FB9];
	_ =	sdelay $0x3  }
0x33: {  	p0 =	seq.s32 s10, $0x1;
	s10 =	sld [smem:$0x3FBB];
	_ =	sdelay $0x3  }
0x34: {  	[smem:$0x3FBB] =	sst s10  }
0x35: {  	s10 =	sld [smem:$0x3FBA];
	_ =	sdelay $0x3  }
0x36: {  	p1 =	seq.s32 s10, $0x1;
	s10 =	sld [smem:$0x3FBB];
	_ =	sdelay $0x3  }
0x37: {  	[smem:$0x3FBB] =	sst s10  }
0x38: {  	s10 =	sld [smem:$0x3FBC]  }
0x39: {  	_ = 	snop;
	(pc) =	sbr.ind lr, $3  }
0x3a: {  	_ = 	snop  }
0x3b: {  	_ = 	snop  }
0x3c: {  	p2 =	seq.s32 s10, $0x1;
	s10 =	sld [smem:$0x3FBB]  }
0x3d: {  	_ =	shalt  }
0x3e: {  	_ =	shalt  }
0x3f: {  	_ =	shalt  }
0x40: {  	_ =	shalt  }
0x41: {  	_ =	shalt  }
0x42: {  	_ =	shalt  }
0x43: {  	_ =	shalt  }
0x44: {  	_ =	shalt  }
0x45: {  	_ =	shalt  }
0x46: {  	_ =	shalt  }
0x47: {  	_ =	shalt  }
0x48: {  	_ =	shalt  }
0x49: {  	_ =	shalt  }
0x4a: {  	_ =	shalt  }
0x4b: {  	_ =	shalt  }
0x4c: {  	_ =	shalt  }
0x4d: {  	_ =	shalt  }
0x4e: {  	_ =	shalt  }
0x4f: {  	_ =	shalt  }
0x50: {  	_ =	shalt  }
0x51: {  	_ =	shalt  }
0x52: {  	_ =	shalt  }
0x53: {  	_ =	shalt  }
0x54: {  	_ =	shalt  }
0x55: {  	_ =	shalt  }
0x56: {  	_ =	shalt  }
0x57: {  	_ =	shalt  }
0x58: {  	_ =	shalt  }
0x59: {  	_ =	shalt  }
0x5a: {  	_ =	shalt  }
0x5b: {  	_ =	shalt  }
0x5c: {  	_ =	shalt  }
0x5d: {  	_ =	shalt  }
0x5e: {  	_ =	shalt  }
0x5f: {  	_ =	shalt  }
0x60: {  	_ =	shalt  }
0x61: {  	_ =	shalt  }
0x62: {  	_ =	shalt  }
0x63: {  	_ =	shalt  }
0x64: {  	_ =	shalt  }
0x65: {  	_ =	shalt  }
0x66: {  	_ =	shalt  }
0x67: {  	_ =	shalt  }
0x68: {  	_ =	shalt  }
0x69: {  	_ =	shalt  }
0x6a: {  	_ =	shalt  }
0x6b: {  	_ =	shalt  }
0x6c: {  	_ =	shalt  }
0x6d: {  	_ =	shalt  }
0x6e: {  	_ =	shalt  }
0x6f: {  	_ =	shalt  }
0x70: {  	_ =	shalt  }
0x71: {  	_ =	shalt  }
0x72: {  	_ =	shalt  }
0x73: {  	_ =	shalt  }
0x74: {  	_ =	shalt  }
0x75: {  	_ =	shalt  }
0x76: {  	_ =	shalt  }
0x77: {  	_ =	shalt  }
0x78: {  	_ =	shalt  }
0x79: {  	_ =	shalt  }
0x7a: {  	_ =	shalt  }
0x7b: {  	_ =	shalt  }
0x7c: {  	_ =	shalt  }
0x7d: {  	_ =	shalt  }
0x7e: {  	_ =	shalt  }
0x7f: {  	_ =	shalt  }
0x80: {  	_ =	shalt  }
0x81: {  	_ =	shalt  }
0x82: {  	_ =	shalt  }
0x83: {  	_ =	shalt  }
0x84: {  	_ =	shalt  }
0x85: {  	_ =	shalt  }
0x86: {  	_ =	shalt  }
0x87: {  	_ =	shalt  }
.Lfunc_end0:
.L_simem_size_0:
called_computation_lowered:
.L_overlay_start_0:
0x88: {  	s2 =	sld [smem:$0x3FD9]  }
0x89: {  	s3 =	sld [smem:$0x3FFE];
	_ =	sdelay $0x1  }
0x8a: {  	s1 =	srdreg.scid  }
0x8b: {  	s0 =	sand.u32 $0x1, s1  }
0x8c: {  	s18 =	sshll.u32 s0, $0xA;
	s2 =	sadd.s32 s3, s2  }
0x8d: {  	s2 =	sadd.s32 s2, s18  }
0x8e: {  	[smem:$0x3FC7] =	sst s2  }
0x8f: {  	_ = 	snop  }
0x90: {  	s2 =	sld [smem:$0x3FC9]  }
0x91: {  	s19 =	sld [smem:$0x3FD0];
	(tm) =	ssettm $0x1  }
0x92: {  	s4 =	sld [smem:$0x3FFB];
	_ =	sdelay $0x3  }
0x93: {  	_ =	strace s4  }
0x94: {  	s4 =	sld [smem:$0x3FFC];
	_ =	sdelay $0x3  }
0x95: {  	_ =	strace s4  }
0x96: {  	s4 =	sld [smem:$0x3FFD];
	_ =	sdelay $0x3  }
0x97: {  	_ =	strace s4  }
0x98: {  	_ =	strace $0x8FFFFFFF  }
0x99: {  	s20 =	sld [smem:$0x3FDB];
	_ =	sdelay $0x1  }
0x9a: {  	s5 =	simm.s32 $_scs_section_size  }
0x9b: {  	s6 =	simm.s32 $_size__tile_overlayer_lowered;
	s7 =	simm.s32 $_tile_overlayer_lowered  }
0x9c: {  	s23 =	simm.s32 $0x1BFF;
	s22 =	sshll.u32 s7, $0x1;
	s4 =	sadd.s32 s5, s20  }
0x9d: {  	s8 =	simm.s32 $0x0;
	s21 =	sshll.u32 s6, $0x1;
	s6 =	sadd.s32 s22, s4  }
0x9e: {  	[timem:s8], [sflag:s23] =	dma.local [hbm:s6], s21  }
0x9f: {  	_ =	swait.ge [sflag:s23], s21  }
0xa0: {  	s5 =	ssub.s32 $0x0, s21;
	[sflag:s23] =	ssyncset.done $0x0  }
0xa1: {  	[sflag:s23] =	ssyncadd.s32 s5;
	_ =	sdelay $0x1  }
0xa2: {  	s24 =	simm.s32 $0x1B8B  }
0xa3: {  	_ =	swait.ge [sflag:s24], $0x1  }
0xa4: {  	[sflag:s24] =	ssyncset.done $0x0  }
0xa5: {  	s25 =	simm.s32 $0x1B8E;
	[sflag:s24] =	ssyncadd.s32 $0xFFFFFFFF  }
0xa6: {  	s26 =	simm.s32 $execute0_lowered;
	[smem:$0x3FD2] =	sst s25  }
0xa7: {  	s5 =	sshll.u32 s26, $0x1;
	_ =	strace $0x80000046;
	[dreg:$0x1] =	wrdreg $0xFFFFFFFF  }
0xa8: {  	s28 =	simm.s32 $_size_execute0_lowered;
	s4 =	sadd.s32 s4, s5;
	[dreg:$0x0] =	wrdreg $0x0  }
0xa9: {  	s5 =	sshll.u32 s28, $0x1;
	[dreg:$0x2] =	wrdreg s4  }
0xaa: {  	[dreg:$0x3] =	wrdreg s5  }
0xab: {  	[dreg:$0x4] =	wrdreg $0xC0  }
0xac: {  	_ =	task [dreg:s8], $0x5FFFF  }
0xad: {  	[dreg:$0x1] =	wrdreg $0xFFFFFFFF  }
0xae: {  	[dreg:$0x0] =	wrdreg $0x60  }
0xaf: {  	[dreg:$0x2] =	wrdreg s2  }
0xb0: {  	[dreg:$0x3] =	wrdreg s19  }
0xb1: {  	[dreg:$0x4] =	wrdreg $0x9  }
0xb2: {  	_ =	task.clear_ibuf [dreg:s8], $0x5FFFF;
	_ =	strace $0x90000046  }
0xb3: {  	s29 =	simm.s32 $0x9;
	_ =	strace $0x80000048  }
0xb4: {  	_ =	swait.ge [sflag:s29], $0x1  }
0xb5: {  	[sflag:s29] =	ssyncadd.s32 $0xFFFFFFFF  }
0xb6: {  	_ =	strace $0x90000048  }
0xb7: {  	_ =	sfence  }
0xb8: {  	s30 =	sld [smem:$0x0];
	_ =	sdelay $0x2  }
0xb9: {  	s31 =	sshll.u32 s1, $0xD;
	s1 =	sshrl.u32 s1, $0x2  }
0xba: {  	s3 =	sand.u32 $0x4000, s31;
	s1 =	sadd.s32 s1, s30  }
0xbb: {  	s0 =	sor.u32 s3, s0;
	s1 =	sshll.u32 s1, $0x11  }
0xbc: {  	s0 =	sor.u32 s1, s0  }
0xbd: {  	s0 =	sadd.s32 $0x8F2B, s0  }
0xbe: {  	[sflag:s0] =	ssyncadd.remote.s32 $0x1  }
0xbf: {  	_ =	sfence.sel $0xFFFF  }
0xc0: {  	[dreg:$0x0] =	wrdreg $0xFFFFFFFF;
	(pc) =	sbr.abs _section_cstart, $3  }
0xc1: {  	[dreg:$0x1] =	wrdreg $0xFFFFFFFF  }
0xc2: {  	_ =	task.clear_ibuf [dreg:s8], $0x2FFFF;
	_ =	strace $0x9FFFFFFF  }
0xc3: {  	(tm) =	ssettm $0x7FFFFFFF  }
tec
execute0_lowered:
.L_overlay_start_1:
0x0: {  	(tag) =	ssettag $0x1  }
0x1: {  	s2 =	rddreg [dreg:$0x0]  }
0x2: {  	s4 =	rddreg [dreg:$0x1];
	s3 =	srdreg.scid  }
0x3: {  	s0 =	rddreg [dreg:$0x2];
	s1 =	stileid.u32;
	s13 =	simm.s32 $0x2  }
0x4: {  	s14 =	simm.s32 $0x1;
	s15 =	simm.s32 $0x0;
	s5 =	sand.u32 $0x1, s3  }
0x5: {  	s3 =	simm.s32 $0x0;
	s6 =	sshll.u32 s1, $0xE;
	s7 =	sshll.u32 s5, $0xD  }
0x6: {  	[smem:$0x7FF] =	sst s3;
	s5 =	ssub.s32 $0x2, s5;
	s6 =	sor.u32 s7, s6  }
0x7: {  	_ =	strace $0x80000047;
	s31 =	sshrl.u32 s5, $0x1;
	s4 =	sadd.s32 s4, s6  }
0x8: {  	s12 =	ssub.s32 s5, s31;
	s5 =	sadd.s32 $0x400, s4;
	s6 =	sadd.s32 $0x800, s4  }
0x9: {  	s7 =	sadd.s32 $0xC00, s4;
	s8 =	sadd.s32 $0x1000, s4;
	s9 =	sadd.s32 $0x1400, s4  }
0xa: {  	s10 =	sadd.s32 $0x1800, s4;
	s11 =	sadd.s32 $0x1C00, s4;
	s12 =	smax.u32 s12, $0x1  }
.LBB2_1:
0xb: {  	[tilespmem:s3], [sflag:$0x2] =	stream.linear.gather [hbm4b:s2+s3], $0x80, $0x38;
	[tilespmem:$0x2000] =	vst v63  }
0xc: {  	_ =	swait.ge [sflag:s13], $0x80  }
0xd: {  	[sflag:s13] =	ssyncset.done $0x0  }
0xe: {  	[sflag:s13] =	ssyncadd.s32 $0xFFFFFF80  }
0xf: {  	v0 =	vld [tilespmem:$0x0]  }
0x10: {  	v1 =	vld [tilespmem:$0x10]  }
0x11: {  	v2 =	vld [tilespmem:$0x20]  }
0x12: {  	v7 =	vld [tilespmem:$0x70]  }
0x13: {  	v3 =	vld [tilespmem:$0x30]  }
0x14: {  	v4 =	vld [tilespmem:$0x40]  }
0x15: {  	v5 =	vld [tilespmem:$0x50]  }
0x16: {  	s16 =	simm.s32 $0x0;
	s17 =	simm.s32 $0x200;
	v6 =	vld [tilespmem:$0x60]  }
.LBB2_2:
0x17: {  	p0 =	sne.s32 s17, $0x7C00;
	[tilespmem:s16+$0xF0] =	vst v7  }
0x18: {  	[tilespmem:s16+$0x80] =	vst v0  }
0x19: {  	[tilespmem:s16+$0x90] =	vst v1  }
.Ltmp0:
0x1a: {  	[tilespmem:s16+$0xA0] =	vst v2;
	(pc) =	sbr.rel @p0 .LBB2_2-.Ltmp0, $4  }
0x1b: {  	[tilespmem:s16+$0xB0] =	vst v3  }
0x1c: {  	[tilespmem:s16+$0xC0] =	vst v4  }
0x1d: {  	[tilespmem:s16+$0xD0] =	vst v5  }
0x1e: {  	[tilespmem:s16+$0xE0] =	vst v6;
	s16 =	sshra.s32 s17, $0x2;
	s17 =	sadd.s32 $0x200, s17  }
0x1f: {  	[tilespmem:s16+$0xF0] =	vst v7  }
0x20: {  	[tilespmem:s16+$0x80] =	vst v0  }
0x21: {  	[tilespmem:s16+$0x90] =	vst v1  }
0x22: {  	[tilespmem:s16+$0xA0] =	vst v2  }
0x23: {  	[tilespmem:s16+$0xB0] =	vst v3  }
0x24: {  	[tilespmem:s16+$0xC0] =	vst v4  }
0x25: {  	[tilespmem:s16+$0xD0] =	vst v5  }
0x26: {  	[tilespmem:s16+$0xE0] =	vst v6  }
0x27: {  	[hbm4b:s4+s3] =	stream.linear.scatter [tilespmem:s3], [sflag:$0x1], $0x2000, $0x38;
	[tilespmem:$0x2000] =	vst v63  }
0x28: {  	_ = 	snop  }
0x29: {  	[hbm4b:s5+s3] =	stream.linear.scatter [tilespmem:s3], [sflag:$0x1], $0x2000, $0x38;
	[tilespmem:$0x2000] =	vst v63  }
0x2a: {  	_ = 	snop  }
0x2b: {  	[hbm4b:s6+s3] =	stream.linear.scatter [tilespmem:s3], [sflag:$0x1], $0x2000, $0x38;
	[tilespmem:$0x2000] =	vst v63  }
0x2c: {  	_ = 	snop  }
0x2d: {  	[hbm4b:s7+s3] =	stream.linear.scatter [tilespmem:s3], [sflag:$0x1], $0x2000, $0x38;
	[tilespmem:$0x2000] =	vst v63  }
0x2e: {  	_ = 	snop  }
0x2f: {  	[hbm4b:s8+s3] =	stream.linear.scatter [tilespmem:s3], [sflag:$0x1], $0x2000, $0x38;
	[tilespmem:$0x2000] =	vst v63  }
0x30: {  	_ = 	snop  }
0x31: {  	[hbm4b:s9+s3] =	stream.linear.scatter [tilespmem:s3], [sflag:$0x1], $0x2000, $0x38;
	[tilespmem:$0x2000] =	vst v63  }
0x32: {  	_ = 	snop  }
0x33: {  	[hbm4b:s10+s3] =	stream.linear.scatter [tilespmem:s3], [sflag:$0x1], $0x2000, $0x38;
	[tilespmem:$0x2000] =	vst v63  }
0x34: {  	_ = 	snop  }
0x35: {  	[hbm4b:s11+s3] =	stream.linear.scatter [tilespmem:s3], [sflag:$0x1], $0x2000, $0x38;
	[tilespmem:$0x2000] =	vst v63  }
0x36: {  	_ =	swait.ge [sflag:s14], $0x2000  }
0x37: {  	[sflag:s14] =	ssyncset.done $0x0  }
0x38: {  	[sflag:s14] =	ssyncadd.s32 $0xFFFFE000  }
0x39: {  	_ =	swait.ge [sflag:s14], $0x2000  }
0x3a: {  	[sflag:s14] =	ssyncset.done $0x0  }
0x3b: {  	[sflag:s14] =	ssyncadd.s32 $0xFFFFE000  }
0x3c: {  	_ =	swait.ge [sflag:s14], $0x2000  }
0x3d: {  	[sflag:s14] =	ssyncset.done $0x0  }
0x3e: {  	[sflag:s14] =	ssyncadd.s32 $0xFFFFE000  }
0x3f: {  	_ =	swait.ge [sflag:s14], $0x2000  }
0x40: {  	[sflag:s14] =	ssyncset.done $0x0  }
0x41: {  	[sflag:s14] =	ssyncadd.s32 $0xFFFFE000  }
0x42: {  	_ =	swait.ge [sflag:s14], $0x2000  }
0x43: {  	[sflag:s14] =	ssyncset.done $0x0  }
0x44: {  	[sflag:s14] =	ssyncadd.s32 $0xFFFFE000  }
0x45: {  	_ =	swait.ge [sflag:s14], $0x2000  }
0x46: {  	[sflag:s14] =	ssyncset.done $0x0  }
0x47: {  	s15 =	sadd.s32 $0x1, s15;
	[sflag:s14] =	ssyncadd.s32 $0xFFFFE000  }
0x48: {  	p0 =	sne.s32 s15, s12;
	_ =	swait.ge [sflag:s14], $0x2000  }
.Ltmp1:
0x49: {  	[sflag:s14] =	ssyncset.done $0x0;
	(pc) =	sbr.rel @p0 .LBB2_1-.Ltmp1, $4  }
0x4a: {  	[sflag:s14] =	ssyncadd.s32 $0xFFFFE000  }
0x4b: {  	_ =	swait.ge [sflag:s14], $0x2000  }
0x4c: {  	[sflag:s14] =	ssyncset.done $0x0  }
0x4d: {  	[sflag:s14] =	ssyncadd.s32 $0xFFFFE000  }
0x4e: {  	_ =	sfence.sel $0x180000  }
0x4f: {  	[bflag:$0x0] =	sbarrier.arrive $0xFFFF  }
0x50: {  	p0 =	sne.s32 s1, $0x0;
	_ =	strace $0x90000047  }
0x51: {  	s0 =	sadd.s32 @!p0 $0x100000, s0;
	[bflag:$0x2] =	sbarrier.arrive $0xFFFF  }
0x52: {  	[sflag:s0] =	ssyncadd.tile.s32 @!p0 $0x1;
	_ =	shalt  }
.Lfunc_end2:
_tile_overlayer_lowered:
.L_overlay_start_2:
0x53: {  	(tag) =	ssettag $0x2  }
0x54: {  	s0 =	rddreg [dreg:$0x0];
	s2 =	stileid.u32  }
0x55: {  	s1 =	rddreg [dreg:$0x1];
	p0 =	sne.s32 s2, $0x0  }
0x56: {  	s3 =	rddreg [dreg:$0x2];
	[bflag:$0x3] =	sbarrier.arrive $0xFFFF;
	s2 =	simm.s32 @!p0 $0x1C02  }
0x57: {  	[timem:s3], [sflag:s2] =	dma.local @!p0 [hbm:s0], s1  }
0x58: {  	s0 =	simm.s32 @!p0 $0x2  }
0x59: {  	_ =	swait.ge @!p0 [sflag:s0], s1  }
0x5a: {  	s1 =	ssub.s32 @!p0 $0x0, s1;
	[sflag:s0] =	ssyncset.done @!p0 $0x0  }
0x5b: {  	[sflag:s0] =	ssyncadd.s32 @!p0 s1  }
0x5c: {  	[bflag:$0x3] =	sbarrier.arrive $0xFFFF  }
0x5d: {  	_ =	shalt  }

</sc_bundles>
